<compile_context>
chip_gen: v7x
topology: tpu7x:2x2x1
jax: 0.10.2.dev20260603
libtpu: 0.0.44.dev20260713+nightly
codegen_flags: <defaults>
</compile_context>

<pallas_src>
import functools

import jax
import jax.numpy as jnp
from jax import lax
from jax.experimental import pallas as pl
from jax.experimental.pallas import tpu as pltpu
from jax.experimental.pallas import tpu_sc as plsc

B = 4096
DIM = 1024
K = 65536
TOP_N = 10
PAD = 16

BK = 256
NK = K // BK
BB = 512
NBB = B // BB


def _topk_body(q_ref, queue_ref, qnorm_ref, tnorm_ref, idx_out_ref,
               xn_ref, runv_ref, runi_ref):
    k = pl.program_id(0)

    @pl.when(k == 0)
    def _init():
        def b_init(b, carry):
            off = b * BB
            xq = q_ref[pl.ds(off, BB), :]
            n = qnorm_ref[pl.ds(off, BB), :]
            xn_ref[pl.ds(off, BB), :] = xq / jnp.maximum(n, 1e-12)
            runv_ref[pl.ds(off, BB), :] = jnp.full(
                (BB, PAD), -jnp.inf, dtype=jnp.float32)
            runi_ref[pl.ds(off, BB), :] = jnp.zeros((BB, PAD), dtype=jnp.int32)
            return carry
        lax.fori_loop(0, NBB, b_init, 0)

    qb = queue_ref[...]
    qn = qb / jnp.maximum(tnorm_ref[...], 1e-12)
    colid = lax.broadcasted_iota(jnp.int32, (BB, BK), 1) + k * BK
    slot = lax.broadcasted_iota(jnp.int32, (BB, PAD), 1)

    def b_step(b, carry):
        off = b * BB
        s0 = lax.dot_general(
            xn_ref[pl.ds(off, BB), :], qn,
            dimension_numbers=(((1,), (1,)), ((), ())),
            preferred_element_type=jnp.float32,
        )
        runv0 = runv_ref[pl.ds(off, BB), :]
        runi0 = runi_ref[pl.ds(off, BB), :]

        def cond(c):
            _, m, runv, _ = c
            return jnp.any(m > runv[:, TOP_N - 1:TOP_N])

        def body(c):
            s, m, runv, runi = c
            am = jnp.min(jnp.where(s == m, colid, K), axis=1, keepdims=True)
            s = jnp.where(colid == am, -jnp.inf, s)
            pos = jnp.sum((runv >= m).astype(jnp.int32), axis=1, keepdims=True)
            shv = jnp.concatenate([runv[:, :1], runv[:, :-1]], axis=1)
            shi = jnp.concatenate([runi[:, :1], runi[:, :-1]], axis=1)
            runv = jnp.where(slot < pos, runv, jnp.where(slot == pos, m, shv))
            runi = jnp.where(slot < pos, runi, jnp.where(slot == pos, am, shi))
            return s, jnp.max(s, axis=1, keepdims=True), runv, runi

        m0 = jnp.max(s0, axis=1, keepdims=True)
        _, _, runv, runi = lax.while_loop(
            cond, body, (s0, m0, runv0, runi0))
        runv_ref[pl.ds(off, BB), :] = runv
        runi_ref[pl.ds(off, BB), :] = runi
        return carry

    lax.fori_loop(0, NBB, b_step, 0)

    @pl.when(k == NK - 1)
    def _emit():
        idx_out_ref[...] = runi_ref[...]


def _topk_indices(query, queue_q, qnorm, tnorm):
    return pl.pallas_call(
        _topk_body,
        grid=(NK,),
        in_specs=[
            pl.BlockSpec((B, DIM), lambda k: (0, 0)),
            pl.BlockSpec((BK, DIM), lambda k: (k, 0)),
            pl.BlockSpec((B, 1), lambda k: (0, 0)),
            pl.BlockSpec((BK, 1), lambda k: (k, 0)),
        ],
        out_specs=pl.BlockSpec((B, PAD), lambda k: (0, 0)),
        out_shape=jax.ShapeDtypeStruct((B, PAD), jnp.int32),
        scratch_shapes=[
            pltpu.VMEM((B, DIM), jnp.float32),
            pltpu.VMEM((B, PAD), jnp.float32),
            pltpu.VMEM((B, PAD), jnp.int32),
        ],
        compiler_params=pltpu.CompilerParams(
            dimension_semantics=("arbitrary",),
        ),
    )(query, queue_q, qnorm, tnorm)



NW = 32
NB_ROWS = B * TOP_N
B_PER_W = NB_ROWS // NW
CH = 64
NCH = B_PER_W // CH


def _gather_body(table_hbm, idx_hbm, out_hbm, idx_v, rows_v, sem):
    wid = lax.axis_index("s") * 2 + lax.axis_index("c")
    base = wid * B_PER_W
    pltpu.sync_copy(idx_hbm.at[pl.ds(base, B_PER_W)], idx_v)

    def chunk(c, carry):
        off = c * CH
        pltpu.async_copy(
            table_hbm.at[idx_v.at[pl.ds(off, CH)]], rows_v, sem).wait()
        pltpu.sync_copy(rows_v, out_hbm.at[pl.ds(base + off, CH)])
        return carry

    lax.fori_loop(0, NCH, chunk, 0)


def _gather_rows(queue_q, flat_idx):
    mesh = plsc.VectorSubcoreMesh(core_axis_name="c", subcore_axis_name="s")
    f = functools.partial(
        pl.kernel,
        mesh=mesh,
        out_type=jax.ShapeDtypeStruct((NB_ROWS, DIM), jnp.float32),
        scratch_types=[
            pltpu.VMEM((B_PER_W,), jnp.int32),
            pltpu.VMEM((CH, DIM), jnp.float32),
            pltpu.SemaphoreType.DMA,
        ],
    )(_gather_body)
    return f(queue_q, flat_idx)


def kernel(query, queue_q):
    qnorm = jnp.linalg.norm(query, ord=2, axis=-1, keepdims=True)
    tnorm = jnp.linalg.norm(queue_q, ord=2, axis=-1, keepdims=True)
    idx = _topk_indices(query, queue_q, qnorm, tnorm)
    flat_idx = idx[:, :TOP_N].reshape(-1)
    rows = _gather_rows(queue_q, flat_idx)
    return rows.reshape(B, TOP_N, DIM)

# --- scband reference (transcript-rebuilt; emitter-appended) ---
"""Pipeline reference for scband-block-mem-43336220016755 (READ-ONLY COPY).

The authoritative reference and input builder live on the scoring server;
editing this copy changes nothing except your own understanding.
"""

import jax, jax.numpy as jnp
import numpy as np

B = 4096
DIM = 1024
K = 65536
TOP_N = 10


def setup_inputs(seed: int = 0) -> dict:
    key = jax.random.key(seed)
    k1, k2 = jax.random.split(key)
    query = jax.random.normal(k1, (B, DIM), dtype=jnp.float32)
    # learned/registered buffer: memory queue, initialized as randn per module __init__
    queue_q = jax.random.normal(k2, (K, DIM), dtype=jnp.float32)
    return {"query": query, "queue_q": queue_q}


def _normalize(x, axis=-1, eps=1e-12):
    # matches torch.nn.functional.normalize (L2, clamped denom)
    n = jnp.linalg.norm(x, ord=2, axis=axis, keepdims=True)
    return x / jnp.maximum(n, eps)


def reference(query, queue_q):
    # _get_similarity_index
    xn = _normalize(query, axis=-1)
    qn = _normalize(queue_q, axis=-1)
    cosine = xn @ qn.T  # [B, K]
    _, index = jax.lax.top_k(cosine, TOP_N)  # [B, top_n]
    # _get_similarity_samples: gather raw (unnormalized) queue rows
    get_q = jnp.take(queue_q, index.reshape(-1), axis=0)  # [B*top_n, dim]
    Bq, tn = index.shape
    get_q = get_q.reshape(Bq, tn, DIM)
    return get_q

if __name__ == "__main__":
    import jax
    _d = setup_inputs()
    print(jax.jit(kernel)(*tuple(_d.values())))

</pallas_src>

<mosaic_0001>
#map = affine_map<(d0, d1) -> (0, 0)>
#map1 = affine_map<(d0, d1) -> (0)>
module attributes {stable_mosaic.version = 14 : i64} {
  func.func @_gather_body(%arg0: i32, %arg1: i32, %arg2: memref<65536x1024xf32, #tpu.memory_space<hbm>>, %arg3: memref<40960xi32, #tpu.memory_space<hbm>>, %arg4: memref<40960x1024xf32, #tpu.memory_space<hbm>>, %arg5: memref<1280xi32, #tpu.memory_space<vmem>>, %arg6: memref<64x1024xf32, #tpu.memory_space<vmem>>, %arg7: memref<!tpu.dma_semaphore, #tpu.memory_space<semaphore_mem>>) attributes {dimension_semantics = [#tpu.dimension_semantics<core_parallel>, #tpu.dimension_semantics<subcore_parallel>], iteration_bounds = array<i64: 2, 16>, scalar_prefetch = 0 : i64, scratch_operands = 3 : i64, tpu.core_type = #tpu.core_type<sc_vector_subcore>, window_params = [{transform_indices = #map}, {transform_indices = #map1}, {transform_indices = #map}]} {
    %mul3A = arith.constant 2 : i32
    %mul3A_0 = arith.muli %arg1, %mul3A : i32
    %add3A = arith.addi %mul3A_0, %arg0 : i32
    %mul3A_1 = arith.constant 1280 : i32
    %mul3A_2 = arith.muli %add3A, %mul3A_1 : i32
    "tpu.region"() ({
      %run_scoped3A = tpu.sem_alloc : memref<!tpu.dma_semaphore, #tpu.memory_space<semaphore_mem>>
      %dma_start3A = tpu.memref_slice %arg3[%mul3A_2] : memref<40960xi32, #tpu.memory_space<hbm>> -> memref<1280xi32, #tpu.memory_space<hbm>>
      %dma_start3A_8 = tpu.memref_slice %arg3[%mul3A_2] : memref<40960xi32, #tpu.memory_space<hbm>> -> memref<1280xi32, #tpu.memory_space<hbm>>
      tpu.enqueue_dma source(%dma_start3A_8 : memref<1280xi32, #tpu.memory_space<hbm>>) target(%arg5 : memref<1280xi32, #tpu.memory_space<vmem>>) target_semaphore(%run_scoped3A : memref<!tpu.dma_semaphore, #tpu.memory_space<semaphore_mem>>)
      %dma_wait3A = tpu.memref_slice %arg3[%mul3A_2] : memref<40960xi32, #tpu.memory_space<hbm>> -> memref<1280xi32, #tpu.memory_space<hbm>>
      %dma_wait3A_9 = tpu.memref_slice %arg3[%mul3A_2] : memref<40960xi32, #tpu.memory_space<hbm>> -> memref<1280xi32, #tpu.memory_space<hbm>>
      tpu.wait_dma2 semaphore(%run_scoped3A : memref<!tpu.dma_semaphore, #tpu.memory_space<semaphore_mem>>) src(%dma_wait3A_9 : memref<1280xi32, #tpu.memory_space<hbm>>) dst(%arg5 : memref<1280xi32, #tpu.memory_space<vmem>>)
      tpu.yield
    }) : () -> ()
    %scan3A = arith.constant 0 : i32
    %scan3A_3 = arith.constant 0 : i32
    %scan3A_4 = arith.constant 20 : i32
    %scan3A_5 = arith.addi %scan3A_3, %scan3A_4 : i32
    %scan3A_6 = arith.constant 1 : i32
    scf.for %scan3A_8 = %scan3A_3 to %scan3A_5 step %scan3A_6  : i32 {
      %mul3A_9 = arith.constant 64 : i32
      %mul3A_10 = arith.muli %scan3A_8, %mul3A_9 : i32
      %dma_start3A = tpu.memref_slice %arg5[%mul3A_10] : memref<1280xi32, #tpu.memory_space<vmem>> -> memref<64xi32, #tpu.memory_space<vmem>>
      %dma_start3A_11 = arith.constant 0 : i32
      %dma_start3A_12 = arith.constant 0 : i32
      %dma_start3A_13 = tpu.memref_slice %arg2[%dma_start3A_11, %dma_start3A_12] : memref<65536x1024xf32, #tpu.memory_space<hbm>> -> memref<65536x1024xf32, #tpu.memory_space<hbm>>
      tpu.enqueue_indirect_dma source(%dma_start3A_13 : memref<65536x1024xf32, #tpu.memory_space<hbm>>) target(%arg6 : memref<64x1024xf32, #tpu.memory_space<vmem>>) offsets(%dma_start3A : memref<64xi32, #tpu.memory_space<vmem>>) semaphore(%arg7 : memref<!tpu.dma_semaphore, #tpu.memory_space<semaphore_mem>>)
      %dma_wait3A = tpu.memref_slice %arg5[%mul3A_10] : memref<1280xi32, #tpu.memory_space<vmem>> -> memref<64xi32, #tpu.memory_space<vmem>>
      %dma_wait3A_14 = arith.constant 0 : i32
      %dma_wait3A_15 = arith.constant 0 : i32
      %dma_wait3A_16 = tpu.memref_slice %arg2[%dma_wait3A_14, %dma_wait3A_15] : memref<65536x1024xf32, #tpu.memory_space<hbm>> -> memref<65536x1024xf32, #tpu.memory_space<hbm>>
      tpu.wait_indirect_dma semaphore(%arg7 : memref<!tpu.dma_semaphore, #tpu.memory_space<semaphore_mem>>) src(%dma_wait3A_16 : memref<65536x1024xf32, #tpu.memory_space<hbm>>) dst(%arg6 : memref<64x1024xf32, #tpu.memory_space<vmem>>)
      %add3A_17 = arith.addi %mul3A_2, %mul3A_10 : i32
      "tpu.region"() ({
        %run_scoped3A = tpu.sem_alloc : memref<!tpu.dma_semaphore, #tpu.memory_space<semaphore_mem>>
        %dma_start3A_18 = arith.constant 0 : i32
        %dma_start3A_19 = tpu.memref_slice %arg4[%add3A_17, %dma_start3A_18] : memref<40960x1024xf32, #tpu.memory_space<hbm>> -> memref<64x1024xf32, #tpu.memory_space<hbm>>
        %dma_start3A_20 = arith.constant 0 : i32
        %dma_start3A_21 = tpu.memref_slice %arg4[%add3A_17, %dma_start3A_20] : memref<40960x1024xf32, #tpu.memory_space<hbm>> -> memref<64x1024xf32, #tpu.memory_space<hbm>>
        tpu.enqueue_dma source(%arg6 : memref<64x1024xf32, #tpu.memory_space<vmem>>) target(%dma_start3A_21 : memref<64x1024xf32, #tpu.memory_space<hbm>>) target_semaphore(%run_scoped3A : memref<!tpu.dma_semaphore, #tpu.memory_space<semaphore_mem>>)
        %dma_wait3A_22 = arith.constant 0 : i32
        %dma_wait3A_23 = tpu.memref_slice %arg4[%add3A_17, %dma_wait3A_22] : memref<40960x1024xf32, #tpu.memory_space<hbm>> -> memref<64x1024xf32, #tpu.memory_space<hbm>>
        %dma_wait3A_24 = arith.constant 0 : i32
        %dma_wait3A_25 = tpu.memref_slice %arg4[%add3A_17, %dma_wait3A_24] : memref<40960x1024xf32, #tpu.memory_space<hbm>> -> memref<64x1024xf32, #tpu.memory_space<hbm>>
        tpu.wait_dma2 semaphore(%run_scoped3A : memref<!tpu.dma_semaphore, #tpu.memory_space<semaphore_mem>>) src(%arg6 : memref<64x1024xf32, #tpu.memory_space<vmem>>) dst(%dma_wait3A_25 : memref<64x1024xf32, #tpu.memory_space<hbm>>)
        tpu.yield
      }) : () -> ()
    }
    %scan3A_7 = arith.constant 20 : i32
    return
  }
}

module attributes {stable_mosaic.version = 14 : i64} {
  func.func @_topk_body(%arg0: i32, %arg1: memref<4096x1024xf32, #tpu.memory_space<vmem>>, %arg2: memref<256x1024xf32, #tpu.memory_space<vmem>>, %arg3: memref<4096x1xf32, #tpu.memory_space<vmem>>, %arg4: memref<256x1xf32, #tpu.memory_space<vmem>>, %arg5: memref<4096x16xi32, #tpu.memory_space<vmem>>, %arg6: memref<4096x1024xf32, #tpu.memory_space<vmem>>, %arg7: memref<4096x16xf32, #tpu.memory_space<vmem>>, %arg8: memref<4096x16xi32, #tpu.memory_space<vmem>>) attributes {dimension_semantics = [#tpu.dimension_semantics<arbitrary>], iteration_bounds = array<i64: 256>, scalar_prefetch = 0 : i64, scratch_operands = 3 : i64, tpu.core_type = #tpu.core_type<tc>, window_params = [{pipeline_mode = #tpu.pipeline_mode<synchronous>, transform_indices = @transform_0, window_bounds = array<i64: 4096, 1024>}, {transform_indices = @transform_1, window_bounds = array<i64: 256, 1024>}, {pipeline_mode = #tpu.pipeline_mode<synchronous>, transform_indices = @transform_2, window_bounds = array<i64: 4096, 1>}, {transform_indices = @transform_3, window_bounds = array<i64: 256, 1>}, {pipeline_mode = #tpu.pipeline_mode<synchronous>, transform_indices = @transform_4, window_bounds = array<i64: 4096, 16>}]} {
    %eq3A = arith.constant 0 : i32
    %eq3A_0 = arith.cmpi eq, %arg0, %eq3A : i32
    %convert_element_type3A = arith.extui %eq3A_0 : i1 to i32
    %cond3A = arith.constant 0 : i32
    %cond3A_1 = arith.cmpi ne, %convert_element_type3A, %cond3A : i32
    scf.if %cond3A_1 {
      %scan3A_22 = arith.constant 0 : i32
      %scan3A_23 = arith.constant 8 : i32
      %scan3A_24 = arith.addi %scan3A_22, %scan3A_23 : i32
      %scan3A_25 = arith.constant 1 : i32
      scf.for %scan3A_27 = %scan3A_22 to %scan3A_24 step %scan3A_25  : i32 {
        %mul3A_28 = arith.constant 512 : i32
        %mul3A_29 = arith.muli %scan3A_27, %mul3A_28 : i32
        %get3A_30 = arith.index_cast %mul3A_29 : i32 to index
        %get3A_31 = arith.constant 0 : index
        %get3A_32 = vector.load %arg1[%get3A_30, %get3A_31] : memref<4096x1024xf32, #tpu.memory_space<vmem>>, vector<512x1024xf32>
        %get3A_33 = arith.index_cast %mul3A_29 : i32 to index
        %get3A_34 = arith.constant 0 : index
        %get3A_35 = vector.load %arg3[%get3A_33, %get3A_34] : memref<4096x1xf32, #tpu.memory_space<vmem>>, vector<512x1xf32>
        %max3A_36 = arith.constant 9.99999996E-13 : f32
        %max3A_37 = vector.broadcast %max3A_36 : f32 to vector<512x1xf32>
        %max3A_38 = arith.maximumf %get3A_35, %max3A_37 : vector<512x1xf32>
        %div3A_39 = vector.broadcast %max3A_38 : vector<512x1xf32> to vector<512x1024xf32>
        %div3A_40 = arith.divf %get3A_32, %div3A_39 : vector<512x1024xf32>
        %swap3A = arith.index_cast %mul3A_29 : i32 to index
        %swap3A_41 = arith.constant 0 : index
        %swap3A_42 = vector.load %arg6[%swap3A, %swap3A_41] : memref<4096x1024xf32, #tpu.memory_space<vmem>>, vector<512x1024xf32>
        tpu.vector_store %arg6[%swap3A, %swap3A_41], %div3A_40 {strides = array<i32>} : memref<4096x1024xf32, #tpu.memory_space<vmem>>, vector<512x1024xf32>,
        %broadcast_in_dim3A = arith.constant 0xFF800000 : f32
        %broadcast_in_dim3A_43 = vector.broadcast %broadcast_in_dim3A : f32 to vector<512x16xf32>
        %swap3A_44 = arith.index_cast %mul3A_29 : i32 to index
        %swap3A_45 = arith.constant 0 : index
        %swap3A_46 = vector.load %arg7[%swap3A_44, %swap3A_45] : memref<4096x16xf32, #tpu.memory_space<vmem>>, vector<512x16xf32>
        tpu.vector_store %arg7[%swap3A_44, %swap3A_45], %broadcast_in_dim3A_43 {strides = array<i32>} : memref<4096x16xf32, #tpu.memory_space<vmem>>, vector<512x16xf32>,
        %broadcast_in_dim3A_47 = arith.constant 0 : i32
        %broadcast_in_dim3A_48 = vector.broadcast %broadcast_in_dim3A_47 : i32 to vector<512x16xi32>
        %swap3A_49 = arith.index_cast %mul3A_29 : i32 to index
        %swap3A_50 = arith.constant 0 : index
        %swap3A_51 = vector.load %arg8[%swap3A_49, %swap3A_50] : memref<4096x16xi32, #tpu.memory_space<vmem>>, vector<512x16xi32>
        tpu.vector_store %arg8[%swap3A_49, %swap3A_50], %broadcast_in_dim3A_48 {strides = array<i32>} : memref<4096x16xi32, #tpu.memory_space<vmem>>, vector<512x16xi32>,
      }
      %scan3A_26 = arith.constant 8 : i32
    } else {
    }
    %get3A = arith.constant 0 : index
    %get3A_2 = arith.constant 0 : index
    %get3A_3 = vector.load %arg2[%get3A, %get3A_2] : memref<256x1024xf32, #tpu.memory_space<vmem>>, vector<256x1024xf32>
    %get3A_4 = arith.constant 0 : index
    %get3A_5 = arith.constant 0 : index
    %get3A_6 = vector.load %arg4[%get3A_4, %get3A_5] : memref<256x1xf32, #tpu.memory_space<vmem>>, vector<256x1xf32>
    %max3A = arith.constant 9.99999996E-13 : f32
    %max3A_7 = vector.broadcast %max3A : f32 to vector<256x1xf32>
    %max3A_8 = arith.maximumf %get3A_6, %max3A_7 : vector<256x1xf32>
    %div3A = vector.broadcast %max3A_8 : vector<256x1xf32> to vector<256x1024xf32>
    %div3A_9 = arith.divf %get3A_3, %div3A : vector<256x1024xf32>
    %iota3A = tpu.iota {dimensions = array<i32: 1>} : vector<512x256xi32>
    %mul3A = arith.constant 256 : i32
    %mul3A_10 = arith.muli %arg0, %mul3A : i32
    %add3A = vector.broadcast %mul3A_10 : i32 to vector<512x256xi32>
    %add3A_11 = arith.addi %iota3A, %add3A : vector<512x256xi32>
    %iota3A_12 = tpu.iota {dimensions = array<i32: 1>} : vector<512x16xi32>
    %scan3A = arith.constant 0 : i32
    %scan3A_13 = arith.constant 8 : i32
    %scan3A_14 = arith.addi %scan3A, %scan3A_13 : i32
    %scan3A_15 = arith.constant 1 : i32
    scf.for %scan3A_22 = %scan3A to %scan3A_14 step %scan3A_15  : i32 {
      %mul3A_23 = arith.constant 512 : i32
      %mul3A_24 = arith.muli %scan3A_22, %mul3A_23 : i32
      %get3A_25 = arith.index_cast %mul3A_24 : i32 to index
      %get3A_26 = arith.constant 0 : index
      %get3A_27 = vector.load %arg6[%get3A_25, %get3A_26] : memref<4096x1024xf32, #tpu.memory_space<vmem>>, vector<512x1024xf32>
      %dot_general3A = arith.constant dense<0.000000e+00> : vector<512x256xf32>
      %dot_general3A_28 = tpu.matmul %get3A_27, %div3A_9, %dot_general3A {dimension_numbers = #tpu.dot_dimension_numbers<[1], [1], [0], [0], [0, 0, 1, 0], [], []>, transpose_lhs_hint = false} : vector<512x1024xf32>, vector<256x1024xf32>, vector<512x256xf32> -> vector<512x256xf32>
      %get3A_29 = arith.index_cast %mul3A_24 : i32 to index
      %get3A_30 = arith.constant 0 : index
      %get3A_31 = vector.load %arg7[%get3A_29, %get3A_30] : memref<4096x16xf32, #tpu.memory_space<vmem>>, vector<512x16xf32>
      %get3A_32 = arith.index_cast %mul3A_24 : i32 to index
      %get3A_33 = arith.constant 0 : index
      %get3A_34 = vector.load %arg8[%get3A_32, %get3A_33] : memref<4096x16xi32, #tpu.memory_space<vmem>>, vector<512x16xi32>
      %reduce_max3A = arith.constant dense<0xFF800000> : vector<512xf32>
      %reduce_max3A_35 = vector.multi_reduction <maximumf>, %dot_general3A_28, %reduce_max3A [1] : vector<512x256xf32> to vector<512xf32>
      %broadcast_in_dim3A = vector.shape_cast %reduce_max3A_35 : vector<512xf32> to vector<512x1xf32>
      %while3A:4 = scf.while (%while3A_41 = %dot_general3A_28, %while3A_42 = %broadcast_in_dim3A, %while3A_43 = %get3A_31, %while3A_44 = %get3A_34) : (vector<512x256xf32>, vector<512x1xf32>, vector<512x16xf32>, vector<512x16xi32>) -> (vector<512x256xf32>, vector<512x1xf32>, vector<512x16xf32>, vector<512x16xi32>) {
        %slice3A = vector.extract_strided_slice %while3A_43 {offsets = [0, 9], sizes = [512, 1], strides = [1, 1]} : vector<512x16xf32> to vector<512x1xf32>
        %gt3A = arith.cmpf ogt, %while3A_42, %slice3A : vector<512x1xf32>
        %reduce_or3A = arith.constant 1.000000e+00 : f32
        %reduce_or3A_45 = arith.constant 0.000000e+00 : f32
        %reduce_or3A_46 = vector.broadcast %reduce_or3A : f32 to vector<512x1xf32>
        %reduce_or3A_47 = vector.broadcast %reduce_or3A_45 : f32 to vector<512x1xf32>
        %reduce_or3A_48 = arith.select %gt3A, %reduce_or3A_46, %reduce_or3A_47 : vector<512x1xi1>, vector<512x1xf32>
        %reduce_or3A_49 = vector.shape_cast %reduce_or3A_48 : vector<512x1xf32> to vector<1x512x1xf32>
        %reduce_or3A_50 = arith.constant dense<0xFF800000> : vector<1xf32>
        %reduce_or3A_51 = vector.multi_reduction <maximumf>, %reduce_or3A_49, %reduce_or3A_50 [1, 2] : vector<1x512x1xf32> to vector<1xf32>
        %reduce_or3A_52 = vector.shape_cast %reduce_or3A_51 : vector<1xf32> to vector<1x1x1xf32>
        %reduce_or3A_53 = vector.extract %reduce_or3A_52[0, 0, 0] : f32 from vector<1x1x1xf32>
        %reduce_or3A_54 = arith.constant 0.000000e+00 : f32
        %reduce_or3A_55 = arith.cmpf ogt, %reduce_or3A_53, %reduce_or3A_54 : f32
        scf.condition(%reduce_or3A_55) %while3A_41, %while3A_42, %while3A_43, %while3A_44 : vector<512x256xf32>, vector<512x1xf32>, vector<512x16xf32>, vector<512x16xi32>
      } do {
      ^bb0(%while3A_41: vector<512x256xf32>, %while3A_42: vector<512x1xf32>, %while3A_43: vector<512x16xf32>, %while3A_44: vector<512x16xi32>):
        %eq3A_45 = vector.broadcast %while3A_42 : vector<512x1xf32> to vector<512x256xf32>
        %eq3A_46 = arith.cmpf oeq, %while3A_41, %eq3A_45 : vector<512x256xf32>
        %jit3A = arith.constant 65536 : i32
        %broadcast_in_dim3A_47 = vector.broadcast %jit3A : i32 to vector<512x256xi32>
        %select_n3A = arith.select %eq3A_46, %add3A_11, %broadcast_in_dim3A_47 : vector<512x256xi1>, vector<512x256xi32>
        %reduce_min3A = arith.constant dense<2147483647> : vector<512xi32>
        %reduce_min3A_48 = vector.multi_reduction <minsi>, %select_n3A, %reduce_min3A [1] : vector<512x256xi32> to vector<512xi32>
        %broadcast_in_dim3A_49 = vector.shape_cast %reduce_min3A_48 : vector<512xi32> to vector<512x1xi32>
        %eq3A_50 = vector.broadcast %broadcast_in_dim3A_49 : vector<512x1xi32> to vector<512x256xi32>
        %eq3A_51 = arith.cmpi eq, %add3A_11, %eq3A_50 : vector<512x256xi32>
        %jit3A_52 = arith.constant 0xFF800000 : f32
        %broadcast_in_dim3A_53 = vector.broadcast %jit3A_52 : f32 to vector<512x256xf32>
        %select_n3A_54 = arith.select %eq3A_51, %broadcast_in_dim3A_53, %while3A_41 : vector<512x256xi1>, vector<512x256xf32>
        %ge3A = vector.broadcast %while3A_42 : vector<512x1xf32> to vector<512x16xf32>
        %ge3A_55 = arith.cmpf oge, %while3A_43, %ge3A : vector<512x16xf32>
        %convert_element_type3A_56 = arith.extui %ge3A_55 : vector<512x16xi1> to vector<512x16xi32>
        %reduce_sum3A = arith.constant dense<0> : vector<512xi32>
        %reduce_sum3A_57 = vector.multi_reduction <add>, %convert_element_type3A_56, %reduce_sum3A [1] : vector<512x16xi32> to vector<512xi32>
        %broadcast_in_dim3A_58 = vector.shape_cast %reduce_sum3A_57 : vector<512xi32> to vector<512x1xi32>
        %slice3A = vector.extract_strided_slice %while3A_43 {offsets = [0, 0], sizes = [512, 1], strides = [1, 1]} : vector<512x16xf32> to vector<512x1xf32>
        %slice3A_59 = vector.extract_strided_slice %while3A_43 {offsets = [0, 0], sizes = [512, 15], strides = [1, 1]} : vector<512x16xf32> to vector<512x15xf32>
        %concatenate3A = tpu.concatenate %slice3A, %slice3A_59 in 1 : vector<512x1xf32>, vector<512x15xf32> -> vector<512x16xf32>
        %slice3A_60 = vector.extract_strided_slice %while3A_44 {offsets = [0, 0], sizes = [512, 1], strides = [1, 1]} : vector<512x16xi32> to vector<512x1xi32>
        %slice3A_61 = vector.extract_strided_slice %while3A_44 {offsets = [0, 0], sizes = [512, 15], strides = [1, 1]} : vector<512x16xi32> to vector<512x15xi32>
        %concatenate3A_62 = tpu.concatenate %slice3A_60, %slice3A_61 in 1 : vector<512x1xi32>, vector<512x15xi32> -> vector<512x16xi32>
        %lt3A = vector.broadcast %broadcast_in_dim3A_58 : vector<512x1xi32> to vector<512x16xi32>
        %lt3A_63 = arith.cmpi slt, %iota3A_12, %lt3A : vector<512x16xi32>
        %eq3A_64 = vector.broadcast %broadcast_in_dim3A_58 : vector<512x1xi32> to vector<512x16xi32>
        %eq3A_65 = arith.cmpi eq, %iota3A_12, %eq3A_64 : vector<512x16xi32>
        %broadcast_in_dim3A_66 = vector.shape_cast %while3A_42 : vector<512x1xf32> to vector<512x1xf32>
        %broadcast_in_dim3A_67 = vector.broadcast %broadcast_in_dim3A_66 : vector<512x1xf32> to vector<512x16xf32>
        %select_n3A_68 = arith.select %eq3A_65, %broadcast_in_dim3A_67, %concatenate3A : vector<512x16xi1>, vector<512x16xf32>
        %select_n3A_69 = arith.select %lt3A_63, %while3A_43, %select_n3A_68 : vector<512x16xi1>, vector<512x16xf32>
        %lt3A_70 = vector.broadcast %broadcast_in_dim3A_58 : vector<512x1xi32> to vector<512x16xi32>
        %lt3A_71 = arith.cmpi slt, %iota3A_12, %lt3A_70 : vector<512x16xi32>
        %eq3A_72 = vector.broadcast %broadcast_in_dim3A_58 : vector<512x1xi32> to vector<512x16xi32>
        %eq3A_73 = arith.cmpi eq, %iota3A_12, %eq3A_72 : vector<512x16xi32>
        %broadcast_in_dim3A_74 = vector.shape_cast %broadcast_in_dim3A_49 : vector<512x1xi32> to vector<512x1xi32>
        %broadcast_in_dim3A_75 = vector.broadcast %broadcast_in_dim3A_74 : vector<512x1xi32> to vector<512x16xi32>
        %select_n3A_76 = arith.select %eq3A_73, %broadcast_in_dim3A_75, %concatenate3A_62 : vector<512x16xi1>, vector<512x16xi32>
        %select_n3A_77 = arith.select %lt3A_71, %while3A_44, %select_n3A_76 : vector<512x16xi1>, vector<512x16xi32>
        %reduce_max3A_78 = arith.constant dense<0xFF800000> : vector<512xf32>
        %reduce_max3A_79 = vector.multi_reduction <maximumf>, %select_n3A_54, %reduce_max3A_78 [1] : vector<512x256xf32> to vector<512xf32>
        %broadcast_in_dim3A_80 = vector.shape_cast %reduce_max3A_79 : vector<512xf32> to vector<512x1xf32>
        scf.yield %select_n3A_54, %broadcast_in_dim3A_80, %select_n3A_69, %select_n3A_77 : vector<512x256xf32>, vector<512x1xf32>, vector<512x16xf32>, vector<512x16xi32>
      }
      %swap3A = arith.index_cast %mul3A_24 : i32 to index
      %swap3A_36 = arith.constant 0 : index
      %swap3A_37 = vector.load %arg7[%swap3A, %swap3A_36] : memref<4096x16xf32, #tpu.memory_space<vmem>>, vector<512x16xf32>
      tpu.vector_store %arg7[%swap3A, %swap3A_36], %while3A#2 {strides = array<i32>} : memref<4096x16xf32, #tpu.memory_space<vmem>>, vector<512x16xf32>,
      %swap3A_38 = arith.index_cast %mul3A_24 : i32 to index
      %swap3A_39 = arith.constant 0 : index
      %swap3A_40 = vector.load %arg8[%swap3A_38, %swap3A_39] : memref<4096x16xi32, #tpu.memory_space<vmem>>, vector<512x16xi32>
      tpu.vector_store %arg8[%swap3A_38, %swap3A_39], %while3A#3 {strides = array<i32>} : memref<4096x16xi32, #tpu.memory_space<vmem>>, vector<512x16xi32>,
    }
    %scan3A_16 = arith.constant 8 : i32
    %eq3A_17 = arith.constant 255 : i32
    %eq3A_18 = arith.cmpi eq, %arg0, %eq3A_17 : i32
    %convert_element_type3A_19 = arith.extui %eq3A_18 : i1 to i32
    %cond3A_20 = arith.constant 0 : i32
    %cond3A_21 = arith.cmpi ne, %convert_element_type3A_19, %cond3A_20 : i32
    scf.if %cond3A_21 {
      %get3A_22 = arith.constant 0 : index
      %get3A_23 = arith.constant 0 : index
      %get3A_24 = vector.load %arg8[%get3A_22, %get3A_23] : memref<4096x16xi32, #tpu.memory_space<vmem>>, vector<4096x16xi32>
      %swap3A = arith.constant 0 : index
      %swap3A_25 = arith.constant 0 : index
      %swap3A_26 = vector.load %arg5[%swap3A, %swap3A_25] : memref<4096x16xi32, #tpu.memory_space<vmem>>, vector<4096x16xi32>
      tpu.vector_store %arg5[%swap3A, %swap3A_25], %get3A_24 {strides = array<i32>} : memref<4096x16xi32, #tpu.memory_space<vmem>>, vector<4096x16xi32>,
    } else {
    }
    return
  }
  func.func @transform_0(%arg0: i32) -> (i32, i32) {
    %c0_i32 = arith.constant 0 : i32
    %c0_i32_0 = arith.constant 0 : i32
    %c0_i32_1 = arith.constant 0 : i32
    return %c0_i32, %c0_i32_0 : i32, i32
  }
  func.func @transform_1(%arg0: i32) -> (i32, i32) {
    %c0_i32 = arith.constant 0 : i32
    %c0_i32_0 = arith.constant 0 : i32
    return %arg0, %c0_i32 : i32, i32
  }
  func.func @transform_2(%arg0: i32) -> (i32, i32) {
    %c0_i32 = arith.constant 0 : i32
    %c0_i32_0 = arith.constant 0 : i32
    %c0_i32_1 = arith.constant 0 : i32
    return %c0_i32, %c0_i32_0 : i32, i32
  }
  func.func @transform_3(%arg0: i32) -> (i32, i32) {
    %c0_i32 = arith.constant 0 : i32
    %c0_i32_0 = arith.constant 0 : i32
    return %arg0, %c0_i32 : i32, i32
  }
  func.func @transform_4(%arg0: i32) -> (i32, i32) {
    %c0_i32 = arith.constant 0 : i32
    %c0_i32_0 = arith.constant 0 : i32
    %c0_i32_1 = arith.constant 0 : i32
    return %c0_i32, %c0_i32_0 : i32, i32
  }
}

</mosaic_0001>

<sc_bundles>
// kernel: kernel.4.cloned.1.call-start
scs
__scs_entry_jumppad:
0x0: {  	(pc) =	sbr.rel $0x88, $3  }
0x1: {  	(tag) =	ssettag $0x0;
	lr =	simm.s32 $0x1  }
0x2: {  	[smem:$0x3F9F] =	sst lr;
	_ =	strace $0xD0000000  }
0x3: {  	_ = 	snop  }
0x4: {  	_ = 	snop  }
0x5: {  	_ = 	snop  }
0x6: {  	_ = 	snop  }
0x7: {  	_ = 	snop  }
__scs_overlays_trampoline_lowered:
0x8: {  	[smem:$0x3FAE] =	sst s0  }
0x9: {  	[smem:$0x3FAF] =	sst s1  }
0xa: {  	[smem:$0x3FB0] =	sst s2  }
0xb: {  	[smem:$0x3FB1] =	sst s3  }
0xc: {  	[smem:$0x3FB2] =	sst s4  }
0xd: {  	[smem:$0x3FB3] =	sst s5  }
0xe: {  	[smem:$0x3FB4] =	sst s6  }
0xf: {  	[smem:$0x3FB5] =	sst s7  }
0x10: {  	[smem:$0x3FB6] =	sst s8  }
0x11: {  	[smem:$0x3FB7] =	sst s9;
	s0 =	simm.s32 @!p0 $0x0  }
0x12: {  	s1 =	sld [smem:$0x3F9D];
	s0 =	simm.s32 @p0 $0x1  }
0x13: {  	[smem:$0x3FB8] =	sst s0;
	s0 =	simm.s32 @!p1 $0x0  }
0x14: {  	s2 =	sld [smem:$0x3F9C];
	s0 =	simm.s32 @p1 $0x1  }
0x15: {  	[smem:$0x3FB9] =	sst s0;
	s0 =	simm.s32 @!p2 $0x0  }
0x16: {  	s3 =	sld [smem:$0x3FDB];
	s0 =	simm.s32 @p2 $0x1  }
0x17: {  	s4 =	simm.s32 $0x1BF5;
	[smem:$0x3FBB] =	sst s0  }
0x18: {  	s0 =	sld [smem:$0x3F9E];
	_ =	swait.ge [sflag:s4], $0x0  }
0x19: {  	s7 =	sld [smem:$0x3F9F]  }
0x1a: {  	s8 =	sadd.s32 $0xFFFFE003, lr  }
0x1b: {  	s9 =	sadd.s32 $0xFFFFFEF7, lr;
	s5 =	simm.s32 $0xFFFFFFFF;
	p2 =	slt.u32 s8, $0xFFFFF086  }
0x1c: {  	p1 =	slt.u32 s9, $0xF7A;
	s5 =	simm.s32 @!p2 $0x0  }
0x1d: {  	s5 =	simm.s32 @p1 $0x1;
	p0 =	seq.s32 s7, s2  }
0x1e: {  	s7 =	smul.u32 @!p0 $0xF7A, s2;
	p2 =	seq.s32 @!p0 s5, $0x0  }
0x1f: {  	s9 =	smul.u32 $0xF7A, s1;
	s8 =	simm.s32 @!p0 $0x1BF5;
	p2 =	por !p2, p0  }
0x20: {  	[sflag:s8] =	ssyncset.s32 @!p0 $0xFFFFF086;
	s6 =	sadd.s32 @!p0 s3, s7;
	s7 =	simm.s32 @!p0 $0x108  }
0x21: {  	s3 =	sadd.s32 s3, s9;
	s6 =	sadd.s32 @!p0 $0x88, s6;
	s7 =	simm.s32 @p2 $0x1082  }
0x22: {  	[simem:s7], [sflag:s8] =	dma.local @!p0 [hbm:s6], $0xF7A  }
0x23: {  	s9 =	sor.u32 $0xD0000000, s2;
	s6 =	simm.s32 $0x108;
	_ =	swait.ge @!p0 [sflag:s8], $0x0  }
0x24: {  	s3 =	sadd.s32 $0x88, s3;
	s6 =	simm.s32 @!p1 $0x1082;
	[sflag:s4] =	ssyncset.s32 $0xFFFFF086  }
0x25: {  	[simem:s6], [sflag:s4] =	dma.local [hbm:s3], $0xF7A  }
0x26: {  	[smem:$0x3F9F] =	sst s1;
	(tag) =	ssettag s2;
	_ =	strace s9  }
0x27: {  	s1 =	sld [smem:$0x3FAF]  }
0x28: {  	s2 =	sld [smem:$0x3FB0]  }
0x29: {  	s4 =	sld [smem:$0x3FB2]  }
0x2a: {  	p0 =	seq.s32 s5, $0x0;
	s5 =	sld [smem:$0x3FB3]  }
0x2b: {  	s6 =	sld [smem:$0x3FB4]  }
0x2c: {  	s7 =	sld [smem:$0x3FB5]  }
0x2d: {  	s3 =	simm.s32 $0x108;
	s8 =	sld [smem:$0x3FB6]  }
0x2e: {  	s3 =	simm.s32 @!p0 $0x1082;
	s9 =	sld [smem:$0x3FB7]  }
0x2f: {  	lr =	sadd.s32 s0, s3;
	s0 =	sld [smem:$0x3FAE]  }
0x30: {  	s3 =	sld [smem:$0x3FB1]  }
0x31: {  	[smem:$0x3FBA] =	sst s10  }
0x32: {  	s10 =	sld [smem:$0x3FB8];
	_ =	sdelay $0x3  }
0x33: {  	p0 =	seq.s32 s10, $0x1;
	s10 =	sld [smem:$0x3FBA];
	_ =	sdelay $0x3  }
0x34: {  	[smem:$0x3FBA] =	sst s10  }
0x35: {  	s10 =	sld [smem:$0x3FB9];
	_ =	sdelay $0x3  }
0x36: {  	p1 =	seq.s32 s10, $0x1;
	s10 =	sld [smem:$0x3FBA];
	_ =	sdelay $0x3  }
0x37: {  	[smem:$0x3FBA] =	sst s10  }
0x38: {  	s10 =	sld [smem:$0x3FBB]  }
0x39: {  	_ = 	snop;
	(pc) =	sbr.ind lr, $3  }
0x3a: {  	_ = 	snop  }
0x3b: {  	_ = 	snop  }
0x3c: {  	p2 =	seq.s32 s10, $0x1;
	s10 =	sld [smem:$0x3FBA]  }
0x3d: {  	_ =	shalt  }
0x3e: {  	_ =	shalt  }
0x3f: {  	_ =	shalt  }
0x40: {  	_ =	shalt  }
0x41: {  	_ =	shalt  }
0x42: {  	_ =	shalt  }
0x43: {  	_ =	shalt  }
0x44: {  	_ =	shalt  }
0x45: {  	_ =	shalt  }
0x46: {  	_ =	shalt  }
0x47: {  	_ =	shalt  }
0x48: {  	_ =	shalt  }
0x49: {  	_ =	shalt  }
0x4a: {  	_ =	shalt  }
0x4b: {  	_ =	shalt  }
0x4c: {  	_ =	shalt  }
0x4d: {  	_ =	shalt  }
0x4e: {  	_ =	shalt  }
0x4f: {  	_ =	shalt  }
0x50: {  	_ =	shalt  }
0x51: {  	_ =	shalt  }
0x52: {  	_ =	shalt  }
0x53: {  	_ =	shalt  }
0x54: {  	_ =	shalt  }
0x55: {  	_ =	shalt  }
0x56: {  	_ =	shalt  }
0x57: {  	_ =	shalt  }
0x58: {  	_ =	shalt  }
0x59: {  	_ =	shalt  }
0x5a: {  	_ =	shalt  }
0x5b: {  	_ =	shalt  }
0x5c: {  	_ =	shalt  }
0x5d: {  	_ =	shalt  }
0x5e: {  	_ =	shalt  }
0x5f: {  	_ =	shalt  }
0x60: {  	_ =	shalt  }
0x61: {  	_ =	shalt  }
0x62: {  	_ =	shalt  }
0x63: {  	_ =	shalt  }
0x64: {  	_ =	shalt  }
0x65: {  	_ =	shalt  }
0x66: {  	_ =	shalt  }
0x67: {  	_ =	shalt  }
0x68: {  	_ =	shalt  }
0x69: {  	_ =	shalt  }
0x6a: {  	_ =	shalt  }
0x6b: {  	_ =	shalt  }
0x6c: {  	_ =	shalt  }
0x6d: {  	_ =	shalt  }
0x6e: {  	_ =	shalt  }
0x6f: {  	_ =	shalt  }
0x70: {  	_ =	shalt  }
0x71: {  	_ =	shalt  }
0x72: {  	_ =	shalt  }
0x73: {  	_ =	shalt  }
0x74: {  	_ =	shalt  }
0x75: {  	_ =	shalt  }
0x76: {  	_ =	shalt  }
0x77: {  	_ =	shalt  }
0x78: {  	_ =	shalt  }
0x79: {  	_ =	shalt  }
0x7a: {  	_ =	shalt  }
0x7b: {  	_ =	shalt  }
0x7c: {  	_ =	shalt  }
0x7d: {  	_ =	shalt  }
0x7e: {  	_ =	shalt  }
0x7f: {  	_ =	shalt  }
0x80: {  	_ =	shalt  }
0x81: {  	_ =	shalt  }
0x82: {  	_ =	shalt  }
0x83: {  	_ =	shalt  }
0x84: {  	_ =	shalt  }
0x85: {  	_ =	shalt  }
0x86: {  	_ =	shalt  }
0x87: {  	_ =	shalt  }
.Lfunc_end0:
.L_simem_size_0:
called_computation.1_lowered:
.L_overlay_start_0:
0x88: {  	s2 =	sld [smem:$0x3FD9]  }
0x89: {  	s3 =	sld [smem:$0x3FFE];
	_ =	sdelay $0x1  }
0x8a: {  	s1 =	srdreg.scid  }
0x8b: {  	s0 =	sand.u32 $0x1, s1  }
0x8c: {  	s17 =	sshll.u32 s0, $0xA;
	s2 =	sadd.s32 s3, s2  }
0x8d: {  	s2 =	sadd.s32 s2, s17  }
0x8e: {  	[smem:$0x3FC6] =	sst s2  }
0x8f: {  	_ = 	snop  }
0x90: {  	s2 =	sld [smem:$0x3FC8]  }
0x91: {  	s18 =	sld [smem:$0x3FD0];
	(tm) =	ssettm $0x1  }
0x92: {  	s4 =	sld [smem:$0x3FFB];
	_ =	sdelay $0x3  }
0x93: {  	_ =	strace s4  }
0x94: {  	s4 =	sld [smem:$0x3FFC];
	_ =	sdelay $0x3  }
0x95: {  	_ =	strace s4  }
0x96: {  	s4 =	sld [smem:$0x3FFD];
	_ =	sdelay $0x3  }
0x97: {  	_ =	strace s4  }
0x98: {  	_ =	strace $0x8FFFFFFF  }
0x99: {  	s19 =	sld [smem:$0x3FDB];
	_ =	sdelay $0x1  }
0x9a: {  	s5 =	simm.s32 $_scs_section_size  }
0x9b: {  	s6 =	simm.s32 $_size__tile_overlayer_lowered;
	s7 =	simm.s32 $_tile_overlayer_lowered  }
0x9c: {  	s22 =	simm.s32 $0x1BFF;
	s21 =	sshll.u32 s7, $0x1;
	s4 =	sadd.s32 s5, s19  }
0x9d: {  	s8 =	simm.s32 $0x0;
	s20 =	sshll.u32 s6, $0x1;
	s6 =	sadd.s32 s21, s4  }
0x9e: {  	[timem:s8], [sflag:s22] =	dma.local [hbm:s6], s20  }
0x9f: {  	_ =	swait.ge [sflag:s22], s20  }
0xa0: {  	s5 =	ssub.s32 $0x0, s20;
	[sflag:s22] =	ssyncset.done $0x0  }
0xa1: {  	[sflag:s22] =	ssyncadd.s32 s5;
	_ =	sdelay $0x1  }
0xa2: {  	s23 =	simm.s32 $0x1B8B  }
0xa3: {  	_ =	swait.ge [sflag:s23], $0x1  }
0xa4: {  	[sflag:s23] =	ssyncset.done $0x0  }
0xa5: {  	s25 =	simm.s32 $0x1B8E;
	s24 =	sld [smem:$0x3FFE];
	[sflag:s23] =	ssyncadd.s32 $0xFFFFFFFF  }
0xa6: {  	s26 =	simm.s32 $execute0_lowered;
	[smem:$0x3FD2] =	sst s25  }
0xa7: {  	s6 =	sshll.u32 s26, $0x1;
	_ =	strace $0x80000046;
	[dreg:$0x1] =	wrdreg $0xFFFFFFFF  }
0xa8: {  	s28 =	simm.s32 $_size_execute0_lowered;
	s4 =	sadd.s32 s4, s6;
	[dreg:$0x0] =	wrdreg $0x0  }
0xa9: {  	s6 =	sshll.u32 s28, $0x1;
	[dreg:$0x2] =	wrdreg s4  }
0xaa: {  	[dreg:$0x3] =	wrdreg s6  }
0xab: {  	[dreg:$0x4] =	wrdreg $0xC0  }
0xac: {  	_ =	task [dreg:s8], $0x5FFFF  }
0xad: {  	[dreg:$0x1] =	wrdreg $0xFFFFFFFF  }
0xae: {  	[dreg:$0x0] =	wrdreg $0x60  }
0xaf: {  	[dreg:$0x2] =	wrdreg s2  }
0xb0: {  	[dreg:$0x3] =	wrdreg s24  }
0xb1: {  	[dreg:$0x4] =	wrdreg s18  }
0xb2: {  	[dreg:$0x5] =	wrdreg $0x9  }
0xb3: {  	_ =	task.clear_ibuf [dreg:s8], $0x6FFFF;
	_ =	strace $0x90000046  }
0xb4: {  	s29 =	simm.s32 $0x9;
	_ =	strace $0x80000048  }
0xb5: {  	_ =	swait.ge [sflag:s29], $0x1  }
0xb6: {  	[sflag:s29] =	ssyncadd.s32 $0xFFFFFFFF  }
0xb7: {  	_ =	strace $0x90000048  }
0xb8: {  	_ =	sfence  }
0xb9: {  	s30 =	sld [smem:$0x0];
	_ =	sdelay $0x2  }
0xba: {  	s31 =	sshll.u32 s1, $0xD;
	s1 =	sshrl.u32 s1, $0x2  }
0xbb: {  	s3 =	sand.u32 $0x4000, s31;
	s1 =	sadd.s32 s1, s30  }
0xbc: {  	s0 =	sor.u32 s3, s0;
	s1 =	sshll.u32 s1, $0x11  }
0xbd: {  	s0 =	sor.u32 s1, s0  }
0xbe: {  	s0 =	sadd.s32 $0x8F2B, s0  }
0xbf: {  	[sflag:s0] =	ssyncadd.remote.s32 $0x1  }
0xc0: {  	_ =	sfence.sel $0xFFFF  }
0xc1: {  	[dreg:$0x0] =	wrdreg $0xFFFFFFFF;
	(pc) =	sbr.abs _section_cstart, $3  }
0xc2: {  	[dreg:$0x1] =	wrdreg $0xFFFFFFFF  }
0xc3: {  	_ =	task.clear_ibuf [dreg:s8], $0x2FFFF;
	_ =	strace $0x9FFFFFFF  }
0xc4: {  	(tm) =	ssettm $0x7FFFFFFF  }
0xc5: {  	_ =	shalt  }
tec
execute0_lowered:
.L_overlay_start_1:
0x0: {  	(tag) =	ssettag $0x1  }
0x1: {  	s2 =	rddreg [dreg:$0x0]  }
0x2: {  	s0 =	rddreg [dreg:$0x1]  }
0x3: {  	s1 =	rddreg [dreg:$0x2]  }
0x4: {  	s3 =	srdreg.scid;
	s6 =	stileid.u32  }
0x5: {  	s12 =	simm.s32 $0xD00;
	s4 =	sand.u32 $0x1, s3;
	s3 =	simm.s32 $0x0  }
0x6: {  	s13 =	simm.s32 $0x1500;
	s14 =	simm.s32 $0x1D00;
	[smem:$0x7FF] =	sst s3  }
0x7: {  	s15 =	simm.s32 $0x2500;
	_ =	strace $0x80000047;
	[dreg:$0x5] =	wrdreg s12  }
0x8: {  	s17 =	simm.s32 $0x2D00;
	s18 =	simm.s32 $0x3500;
	[dreg:$0x6] =	wrdreg s13  }
0x9: {  	s19 =	simm.s32 $0x3D00;
	s20 =	simm.s32 $0x4500;
	[dreg:$0x7] =	wrdreg s14  }
0xa: {  	s21 =	simm.s32 $0x4D00;
	s22 =	simm.s32 $0x5500;
	[dreg:$0x8] =	wrdreg s15  }
0xb: {  	s24 =	simm.s32 $0x5D00;
	s9 =	simm.s32 $0x2;
	[dreg:$0x9] =	wrdreg s17  }
0xc: {  	s25 =	simm.s32 $0x6500;
	s10 =	simm.s32 $0x500;
	[dreg:$0xa] =	wrdreg s18  }
0xd: {  	s26 =	simm.s32 $0x6D00;
	s28 =	simm.s32 $0xF500;
	[dreg:$0xb] =	wrdreg s19  }
0xe: {  	s29 =	simm.s32 $0xFD00;
	s30 =	simm.s32 $0x1;
	[dreg:$0xc] =	wrdreg s20  }
0xf: {  	s31 =	simm.s32 $0x0;
	s5 =	smul.u32 $0x50000, s6;
	[dreg:$0xd] =	wrdreg s21  }
0x10: {  	s6 =	sshll.u32 s6, $0x1;
	s7 =	smul.u32 $0x28000, s4;
	[dreg:$0xe] =	wrdreg s22  }
0x11: {  	s6 =	sor.u32 s4, s6;
	s4 =	ssub.s32 $0x2, s4;
	[dreg:$0xf] =	wrdreg s24  }
0x12: {  	s1 =	sadd.s32 s5, s1;
	s11 =	smul.u32 $0x500, s6;
	[dreg:$0x10] =	wrdreg s25  }
0x13: {  	s16 =	sshrl.u32 s4, $0x1;
	s6 =	sadd.s32 $0x200, s2;
	[dreg:$0x11] =	wrdreg s26  }
0x14: {  	s12 =	simm.s32 $0x7D00;
	s13 =	simm.s32 $0x8500;
	s14 =	simm.s32 $0x8D00  }
0x15: {  	s15 =	simm.s32 $0x9500;
	s17 =	simm.s32 $0xA500;
	s18 =	simm.s32 $0xAD00  }
0x16: {  	s19 =	simm.s32 $0xB500;
	s20 =	simm.s32 $0xBD00;
	s21 =	simm.s32 $0xC500  }
0x17: {  	s22 =	simm.s32 $0xCD00;
	s24 =	simm.s32 $0xDD00;
	s25 =	simm.s32 $0xE500  }
0x18: {  	s26 =	simm.s32 $0xED00;
	s1 =	sadd.s32 s7, s1;
	s8 =	ssub.s32 s4, s16  }
0x19: {  	s7 =	sadd.s32 $0x300, s2;
	s16 =	simm.s32 $0x9D00;
	s5 =	sshrl.u32 s11, $0x3  }
0x1a: {  	v2 =	vlaneseq.u32;
	[dreg:$0x4] =	wrdreg s1;
	s23 =	smax.u32 s8, $0x1;
	s0 =	sadd.s32 s5, s0  }
0x1b: {  	vm0 =	vmmov $0xffff;
	v1 =	vshrl.u32 v2, $0x3;
	s11 =	simm.s32 $0x7500;
	[dreg:$0x13] =	wrdreg s23;
	s0 =	sadd.s32 $0xE00, s0  }
0x1c: {  	v0 =	vand.u32 $0x7, v2;
	v2 =	vor.u32 $0x8, v2;
	v1 =	vmul.u32 $0x8, v1;
	s5 =	sadd.s32 $0x100, s2;
	s23 =	simm.s32 $0xD500;
	[dreg:$0x12] =	wrdreg s0  }
.LBB2_1:
0x1d: {  	s0 =	rddreg [dreg:$0x12]  }
0x1e: {  	[tilespmem:s3], [sflag:$0x2] =	stream.linear.gather [hbm4b:s0+s3], $0x500, $0x38;
	[tilespmem:$0x10500] =	vst v63  }
0x1f: {  	_ =	swait.ge [sflag:s9], $0x500  }
0x20: {  	[sflag:s9] =	ssyncset.done $0x0  }
0x21: {  	s1 =	simm.s32 $0x0;
	s0 =	simm.s32 $0x20;
	[sflag:s9] =	ssyncadd.s32 $0xFFFFFB00  }
.LBB2_2:
0x22: {  	v3 =	vld [tilespmem:s0+$0xFFFFFFE0];
	_ =	sdelay $0x4  }
0x23: {  	v4 =	vshll.u32 v3, $0x3  }
0x24: {  	v3 =	vand.u32 $0x7, v3;
	v4 =	vand.u32 $0xFFFFFFC0, v4  }
0x25: {  	v3 =	vor.u32 v3, v4  }
0x26: {  	v4 =	vperm.xlane v3, v0;
	_ =	sdelay $0x1  }
0x27: {  	v4 =	vadd.s32 v1, v4;
	_ =	sdelay $0x4  }
0x28: {  	[tilespmem:s10], [sflag:$0x1] =	stream.indirect_vreg.gather [hbm4b:s2+s3], $0x80, v4, vm0, $0xb8;
	[tilespmem:$0x10500] =	vst v63  }
0x29: {  	s4 =	rddreg [dreg:$0x5];
	v3 =	vperm.xlane v3, v2  }
0x2a: {  	[tilespmem:s4], [sflag:$0x1] =	stream.indirect_vreg.gather [hbm4b:s5+s3], $0x80, v4, vm0, $0xb8;
	[tilespmem:$0x10500] =	vst v63  }
0x2b: {  	s8 =	rddreg [dreg:$0x6];
	v3 =	vadd.s32 v1, v3  }
0x2c: {  	[tilespmem:s8], [sflag:$0x1] =	stream.indirect_vreg.gather [hbm4b:s6+s3], $0x80, v4, vm0, $0xb8;
	[tilespmem:$0x10500] =	vst v63  }
0x2d: {  	s4 =	rddreg [dreg:$0x7]  }
0x2e: {  	[tilespmem:s4], [sflag:$0x1] =	stream.indirect_vreg.gather [hbm4b:s7+s3], $0x80, v4, vm0, $0xb8;
	[tilespmem:$0x10500] =	vst v63  }
0x2f: {  	s8 =	rddreg [dreg:$0x8]  }
0x30: {  	[tilespmem:s8], [sflag:$0x1] =	stream.indirect_vreg.gather [hbm4b:s2+s3], $0x80, v3, vm0, $0xb8;
	[tilespmem:$0x10500] =	vst v63  }
0x31: {  	s4 =	rddreg [dreg:$0x9]  }
0x32: {  	[tilespmem:s4], [sflag:$0x1] =	stream.indirect_vreg.gather [hbm4b:s5+s3], $0x80, v3, vm0, $0xb8;
	[tilespmem:$0x10500] =	vst v63  }
0x33: {  	s8 =	rddreg [dreg:$0xa]  }
0x34: {  	[tilespmem:s8], [sflag:$0x1] =	stream.indirect_vreg.gather [hbm4b:s6+s3], $0x80, v3, vm0, $0xb8;
	[tilespmem:$0x10500] =	vst v63  }
0x35: {  	s4 =	rddreg [dreg:$0xb]  }
0x36: {  	[tilespmem:s4], [sflag:$0x1] =	stream.indirect_vreg.gather [hbm4b:s7+s3], $0x80, v3, vm0, $0xb8;
	[tilespmem:$0x10500] =	vst v63  }
0x37: {  	v3 =	vld [tilespmem:s0+$0xFFFFFFF0];
	_ =	sdelay $0x4  }
0x38: {  	v61 =	vshll.u32 v3, $0x3  }
0x39: {  	v3 =	vand.u32 $0x7, v3;
	v4 =	vand.u32 $0xFFFFFFC0, v61  }
0x3a: {  	v3 =	vor.u32 v3, v4  }
0x3b: {  	v4 =	vperm.xlane v3, v0;
	_ =	sdelay $0x1  }
0x3c: {  	v4 =	vadd.s32 v1, v4;
	_ =	sdelay $0x3  }
0x3d: {  	s4 =	rddreg [dreg:$0xc]  }
0x3e: {  	[tilespmem:s4], [sflag:$0x1] =	stream.indirect_vreg.gather [hbm4b:s2+s3], $0x80, v4, vm0, $0xb8;
	[tilespmem:$0x10500] =	vst v63  }
0x3f: {  	s8 =	rddreg [dreg:$0xd];
	v3 =	vperm.xlane v3, v2  }
0x40: {  	[tilespmem:s8], [sflag:$0x1] =	stream.indirect_vreg.gather [hbm4b:s5+s3], $0x80, v4, vm0, $0xb8;
	[tilespmem:$0x10500] =	vst v63  }
0x41: {  	v3 =	vadd.s32 v1, v3;
	s4 =	rddreg [dreg:$0xe]  }
0x42: {  	[tilespmem:s4], [sflag:$0x1] =	stream.indirect_vreg.gather [hbm4b:s6+s3], $0x80, v4, vm0, $0xb8;
	[tilespmem:$0x10500] =	vst v63  }
0x43: {  	s8 =	rddreg [dreg:$0xf]  }
0x44: {  	[tilespmem:s8], [sflag:$0x1] =	stream.indirect_vreg.gather [hbm4b:s7+s3], $0x80, v4, vm0, $0xb8;
	[tilespmem:$0x10500] =	vst v63  }
0x45: {  	s4 =	rddreg [dreg:$0x10]  }
0x46: {  	[tilespmem:s4], [sflag:$0x1] =	stream.indirect_vreg.gather [hbm4b:s2+s3], $0x80, v3, vm0, $0xb8;
	[tilespmem:$0x10500] =	vst v63  }
0x47: {  	s8 =	rddreg [dreg:$0x11]  }
0x48: {  	[tilespmem:s8], [sflag:$0x1] =	stream.indirect_vreg.gather [hbm4b:s5+s3], $0x80, v3, vm0, $0xb8;
	[tilespmem:$0x10500] =	vst v63  }
0x49: {  	_ = 	snop  }
0x4a: {  	[tilespmem:s11], [sflag:$0x1] =	stream.indirect_vreg.gather [hbm4b:s6+s3], $0x80, v3, vm0, $0xb8;
	[tilespmem:$0x10500] =	vst v63  }
0x4b: {  	_ = 	snop  }
0x4c: {  	[tilespmem:s12], [sflag:$0x1] =	stream.indirect_vreg.gather [hbm4b:s7+s3], $0x80, v3, vm0, $0xb8;
	[tilespmem:$0x10500] =	vst v63  }
0x4d: {  	v3 =	vld [tilespmem:s0+$0x0];
	_ =	sdelay $0x4  }
0x4e: {  	v62 =	vshll.u32 v3, $0x3  }
0x4f: {  	v3 =	vand.u32 $0x7, v3;
	v4 =	vand.u32 $0xFFFFFFC0, v62  }
0x50: {  	v3 =	vor.u32 v3, v4  }
0x51: {  	v4 =	vperm.xlane v3, v0;
	_ =	sdelay $0x1  }
0x52: {  	v4 =	vadd.s32 v1, v4;
	_ =	sdelay $0x4  }
0x53: {  	[tilespmem:s13], [sflag:$0x1] =	stream.indirect_vreg.gather [hbm4b:s2+s3], $0x80, v4, vm0, $0xb8;
	[tilespmem:$0x10500] =	vst v63  }
0x54: {  	v3 =	vperm.xlane v3, v2  }
0x55: {  	[tilespmem:s14], [sflag:$0x1] =	stream.indirect_vreg.gather [hbm4b:s5+s3], $0x80, v4, vm0, $0xb8;
	[tilespmem:$0x10500] =	vst v63  }
0x56: {  	v3 =	vadd.s32 v1, v3  }
0x57: {  	[tilespmem:s15], [sflag:$0x1] =	stream.indirect_vreg.gather [hbm4b:s6+s3], $0x80, v4, vm0, $0xb8;
	[tilespmem:$0x10500] =	vst v63  }
0x58: {  	_ = 	snop  }
0x59: {  	[tilespmem:s16], [sflag:$0x1] =	stream.indirect_vreg.gather [hbm4b:s7+s3], $0x80, v4, vm0, $0xb8;
	[tilespmem:$0x10500] =	vst v63  }
0x5a: {  	_ = 	snop  }
0x5b: {  	[tilespmem:s17], [sflag:$0x1] =	stream.indirect_vreg.gather [hbm4b:s2+s3], $0x80, v3, vm0, $0xb8;
	[tilespmem:$0x10500] =	vst v63  }
0x5c: {  	_ = 	snop  }
0x5d: {  	[tilespmem:s18], [sflag:$0x1] =	stream.indirect_vreg.gather [hbm4b:s5+s3], $0x80, v3, vm0, $0xb8;
	[tilespmem:$0x10500] =	vst v63  }
0x5e: {  	_ = 	snop  }
0x5f: {  	[tilespmem:s19], [sflag:$0x1] =	stream.indirect_vreg.gather [hbm4b:s6+s3], $0x80, v3, vm0, $0xb8;
	[tilespmem:$0x10500] =	vst v63  }
0x60: {  	_ = 	snop  }
0x61: {  	[tilespmem:s20], [sflag:$0x1] =	stream.indirect_vreg.gather [hbm4b:s7+s3], $0x80, v3, vm0, $0xb8;
	[tilespmem:$0x10500] =	vst v63  }
0x62: {  	v3 =	vld [tilespmem:s0+$0x10];
	_ =	sdelay $0x4  }
0x63: {  	v63 =	vshll.u32 v3, $0x3  }
0x64: {  	v3 =	vand.u32 $0x7, v3;
	v4 =	vand.u32 $0xFFFFFFC0, v63  }
0x65: {  	v3 =	vor.u32 v3, v4  }
0x66: {  	v4 =	vperm.xlane v3, v0;
	_ =	sdelay $0x1  }
0x67: {  	v4 =	vadd.s32 v1, v4;
	_ =	sdelay $0x4  }
0x68: {  	[tilespmem:s21], [sflag:$0x1] =	stream.indirect_vreg.gather [hbm4b:s2+s3], $0x80, v4, vm0, $0xb8;
	[tilespmem:$0x10500] =	vst v63  }
0x69: {  	v3 =	vperm.xlane v3, v2  }
0x6a: {  	[tilespmem:s22], [sflag:$0x1] =	stream.indirect_vreg.gather [hbm4b:s5+s3], $0x80, v4, vm0, $0xb8;
	[tilespmem:$0x10500] =	vst v63  }
0x6b: {  	v3 =	vadd.s32 v1, v3  }
0x6c: {  	[tilespmem:s23], [sflag:$0x1] =	stream.indirect_vreg.gather [hbm4b:s6+s3], $0x80, v4, vm0, $0xb8;
	[tilespmem:$0x10500] =	vst v63  }
0x6d: {  	_ = 	snop  }
0x6e: {  	[tilespmem:s24], [sflag:$0x1] =	stream.indirect_vreg.gather [hbm4b:s7+s3], $0x80, v4, vm0, $0xb8;
	[tilespmem:$0x10500] =	vst v63  }
0x6f: {  	_ = 	snop  }
0x70: {  	[tilespmem:s25], [sflag:$0x1] =	stream.indirect_vreg.gather [hbm4b:s2+s3], $0x80, v3, vm0, $0xb8;
	[tilespmem:$0x10500] =	vst v63  }
0x71: {  	_ = 	snop  }
0x72: {  	[tilespmem:s26], [sflag:$0x1] =	stream.indirect_vreg.gather [hbm4b:s5+s3], $0x80, v3, vm0, $0xb8;
	[tilespmem:$0x10500] =	vst v63  }
0x73: {  	_ = 	snop  }
0x74: {  	[tilespmem:s28], [sflag:$0x1] =	stream.indirect_vreg.gather [hbm4b:s6+s3], $0x80, v3, vm0, $0xb8;
	[tilespmem:$0x10500] =	vst v63  }
0x75: {  	_ = 	snop  }
0x76: {  	[tilespmem:s29], [sflag:$0x1] =	stream.indirect_vreg.gather [hbm4b:s7+s3], $0x80, v3, vm0, $0xb8;
	[tilespmem:$0x10500] =	vst v63  }
0x77: {  	_ =	swait.ge [sflag:s30], $0x10000  }
0x78: {  	p0 =	sne.s32 s1, $0x26000;
	s8 =	rddreg [dreg:$0x4];
	[sflag:s30] =	ssyncset.done $0x0  }
.Ltmp0:
0x79: {  	[sflag:s30] =	ssyncadd.s32 $0xFFFF0000;
	s4 =	sadd.s32 s1, s8;
	(pc) =	sbr.rel @p0 .LBB2_2-.Ltmp0, $4  }
0x7a: {  	[hbm4b:s4+s3] =	stream.linear.scatter [tilespmem:s10], [sflag:$0x2], $0x10000, $0x38;
	[tilespmem:$0x10500] =	vst v63  }
0x7b: {  	_ =	swait.ge [sflag:s9], $0x10000  }
0x7c: {  	[sflag:s9] =	ssyncset.done $0x0  }
0x7d: {  	s0 =	sadd.s32 $0x40, s0;
	s1 =	sadd.s32 $0x2000, s1;
	[sflag:s9] =	ssyncadd.s32 $0xFFFF0000  }
0x7e: {  	s31 =	sadd.s32 $0x1, s31;
	s0 =	rddreg [dreg:$0x13]  }
0x7f: {  	p0 =	sne.s32 s31, s0  }
.Ltmp1:
0x80: {  	_ = 	snop;
	(pc) =	sbr.rel @p0 .LBB2_1-.Ltmp1, $1  }
0x81: {  	_ =	sdelay $0x3  }
0x82: {  	_ =	sfence.sel $0x180000  }
0x83: {  	[bflag:$0x0] =	sbarrier.arrive $0xFFFF  }
0x84: {  	_ =	strace $0x90000047  }
0x85: {  	s0 =	stileid.u32;
	[bflag:$0x2] =	sbarrier.arrive $0xFFFF  }
0x86: {  	p0 =	sne.s32 s0, $0x0;
	s0 =	rddreg [dreg:$0x3]  }
0x87: {  	s0 =	sadd.s32 @!p0 $0x100000, s0  }
0x88: {  	[sflag:s0] =	ssyncadd.tile.s32 @!p0 $0x1;
	_ =	shalt  }
.Lfunc_end2:
_tile_overlayer_lowered:
.L_overlay_start_2:
0x89: {  	(tag) =	ssettag $0x2  }
0x8a: {  	s0 =	rddreg [dreg:$0x0];
	s2 =	stileid.u32  }
0x8b: {  	s1 =	rddreg [dreg:$0x1];
	p0 =	sne.s32 s2, $0x0  }
0x8c: {  	s3 =	rddreg [dreg:$0x2];
	[bflag:$0x3] =	sbarrier.arrive $0xFFFF;
	s2 =	simm.s32 @!p0 $0x1C02  }
0x8d: {  	[timem:s3], [sflag:s2] =	dma.local @!p0 [hbm:s0], s1  }
0x8e: {  	s0 =	simm.s32 @!p0 $0x2  }
0x8f: {  	_ =	swait.ge @!p0 [sflag:s0], s1  }
0x90: {  	s1 =	ssub.s32 @!p0 $0x0, s1;
	[sflag:s0] =	ssyncset.done @!p0 $0x0  }
0x91: {  	[sflag:s0] =	ssyncadd.s32 @!p0 s1  }
0x92: {  	[bflag:$0x3] =	sbarrier.arrive $0xFFFF  }
0x93: {  	_ =	shalt  }

// kernel: sparse-core-data-format-call.cloned.1.call-start
scs
called_computation_lowered:
.L_overlay_start_0:
0x0: {  	s2 =	sld [smem:$0x3FD9]  }
0x1: {  	s3 =	sld [smem:$0x3FFE];
	_ =	sdelay $0x1  }
0x2: {  	s1 =	srdreg.scid  }
0x3: {  	s0 =	sand.u32 $0x1, s1  }
0x4: {  	s18 =	sshll.u32 s0, $0xA;
	s2 =	sadd.s32 s3, s2  }
0x5: {  	s2 =	sadd.s32 s2, s18  }
0x6: {  	[smem:$0x3FC6] =	sst s2  }
0x7: {  	_ = 	snop  }
0x8: {  	s2 =	sld [smem:$0x3FD0];
	(tm) =	ssettm $0x1  }
0x9: {  	s19 =	sld [smem:$0x3FFB];
	_ =	sdelay $0x3  }
0xa: {  	_ =	strace s19  }
0xb: {  	s3 =	sld [smem:$0x3FFC];
	_ =	sdelay $0x3  }
0xc: {  	_ =	strace s3  }
0xd: {  	s3 =	sld [smem:$0x3FFD];
	_ =	sdelay $0x3  }
0xe: {  	_ =	strace s3  }
0xf: {  	_ =	strace $0x8FFFFFFF  }
0x10: {  	s20 =	sld [smem:$0x3FDB];
	_ =	sdelay $0x1  }
0x11: {  	s4 =	simm.s32 $_scs_section_size  }
0x12: {  	s5 =	simm.s32 $_size__tile_overlayer_lowered;
	s6 =	simm.s32 $_tile_overlayer_lowered  }
0x13: {  	s23 =	simm.s32 $0x1BFF;
	s22 =	sshll.u32 s6, $0x1;
	s3 =	sadd.s32 s4, s20  }
0x14: {  	s7 =	simm.s32 $0x0;
	s21 =	sshll.u32 s5, $0x1;
	s5 =	sadd.s32 s22, s3  }
0x15: {  	[timem:s7], [sflag:s23] =	dma.local [hbm:s5], s21  }
0x16: {  	_ =	swait.ge [sflag:s23], s21  }
0x17: {  	s4 =	ssub.s32 $0x0, s21;
	[sflag:s23] =	ssyncset.done $0x0  }
0x18: {  	[sflag:s23] =	ssyncadd.s32 s4;
	_ =	sdelay $0x1  }
0x19: {  	s24 =	simm.s32 $0x1B8B  }
0x1a: {  	_ =	swait.ge [sflag:s24], $0x1  }
0x1b: {  	[sflag:s24] =	ssyncset.done $0x0  }
0x1c: {  	s26 =	simm.s32 $0x1B8E;
	s25 =	sld [smem:$0x3FFE];
	[sflag:s24] =	ssyncadd.s32 $0xFFFFFFFF  }
0x1d: {  	s27 =	simm.s32 $execute0_lowered;
	[smem:$0x3FD2] =	sst s26  }
0x1e: {  	s5 =	sshll.u32 s27, $0x1;
	_ =	strace $0x80000049;
	[dreg:$0x1] =	wrdreg $0xFFFFFFFF  }
0x1f: {  	s28 =	simm.s32 $_size_execute0_lowered;
	s3 =	sadd.s32 s3, s5;
	[dreg:$0x0] =	wrdreg $0x0  }
0x20: {  	s5 =	sshll.u32 s28, $0x1;
	[dreg:$0x2] =	wrdreg s3  }
0x21: {  	[dreg:$0x3] =	wrdreg s5  }
0x22: {  	[dreg:$0x4] =	wrdreg $0xC0  }
0x23: {  	_ =	task [dreg:s7], $0x5FFFF  }
0x24: {  	[dreg:$0x1] =	wrdreg $0xFFFFFFFF  }
0x25: {  	[dreg:$0x0] =	wrdreg $0x60  }
0x26: {  	[dreg:$0x2] =	wrdreg s25  }
0x27: {  	[dreg:$0x3] =	wrdreg s2  }
0x28: {  	[dreg:$0x4] =	wrdreg $0x9  }
0x29: {  	_ =	task.clear_ibuf [dreg:s7], $0x5FFFF;
	_ =	strace $0x90000049  }
0x2a: {  	s29 =	simm.s32 $0x9;
	_ =	strace $0x8000004B  }
0x2b: {  	_ =	swait.ge [sflag:s29], $0x1  }
0x2c: {  	[sflag:s29] =	ssyncadd.s32 $0xFFFFFFFF  }
0x2d: {  	_ =	strace $0x9000004B  }
0x2e: {  	_ =	sfence  }
0x2f: {  	s30 =	sld [smem:$0x0];
	_ =	sdelay $0x2  }
0x30: {  	s31 =	sshll.u32 s1, $0xD;
	s1 =	sshrl.u32 s1, $0x2  }
0x31: {  	s3 =	sand.u32 $0x4000, s31;
	s1 =	sadd.s32 s1, s30  }
0x32: {  	s0 =	sor.u32 s3, s0;
	s1 =	sshll.u32 s1, $0x11  }
0x33: {  	s0 =	sor.u32 s1, s0  }
0x34: {  	s0 =	sadd.s32 $0x8F2B, s0  }
0x35: {  	[sflag:s0] =	ssyncadd.remote.s32 $0x1  }
0x36: {  	_ =	sfence.sel $0xFFFF  }
0x37: {  	[dreg:$0x0] =	wrdreg $0xFFFFFFFF;
	(pc) =	sbr.abs _section_cstart, $3  }
0x38: {  	[dreg:$0x1] =	wrdreg $0xFFFFFFFF  }
0x39: {  	_ =	task.clear_ibuf [dreg:s7], $0x2FFFF;
	_ =	strace $0x9FFFFFFF  }
0x3a: {  	(tm) =	ssettm $0x7FFFFFFF  }
0x3b: {  	_ =	shalt  }
tec
execute0_lowered:
.L_overlay_start_1:
0x0: {  	(tag) =	ssettag $0x1  }
0x1: {  	s0 =	srdreg.scid  }
0x2: {  	s1 =	sshll.u32 s0, $0x4  }
0x3: {  	s6 =	rddreg [dreg:$0x0];
	s0 =	stileid.u32;
	s1 =	sand.u32 $0x10, s1  }
0x4: {  	s3 =	rddreg [dreg:$0x1];
	s1 =	sor.u32 s0, s1  }
0x5: {  	s5 =	simm.s32 $0x1;
	s31 =	simm.s32 $0x2;
	s2 =	sshll.u32 s1, $0x7  }
0x6: {  	s14 =	simm.s32 $0x0;
	s8 =	simm.s32 $0x2000;
	s4 =	ssub.s32 $0x1000, s2  }
0x7: {  	s9 =	simm.s32 $0x0;
	s15 =	simm.s32 $0x0;
	s30 =	sand.u32 $0xF80, s4  }
0x8: {  	s16 =	simm.s32 $0x0;
	s10 =	simm.s32 $0x0;
	p0 =	sne.s32 s30, $0x0  }
.Ltmp0:
0x9: {  	s7 =	sshrl.u32 s4, $0xC;
	s5 =	simm.s32 @!p0 $0x0;
	(pc) =	sbr.rel .LBB1_1-.Ltmp0, $4  }
0xa: {  	s11 =	simm.s32 $0x0;
	s1 =	rddreg [dreg:$0x2];
	s5 =	sadd.s32 s5, s7  }
0xb: {  	_ =	strace $0x8000004A;
	s4 =	simm.s32 $0x1;
	s5 =	smul.u32 $0x50, s5  }
0xc: {  	s13 =	simm.s32 $0x0;
	s6 =	sadd.s32 $0xE00, s6;
	[sflag:s4] =	ssyncpa.u1 $0x0  }
0xd: {  	s12 =	smov.u32 s2;
	[sflag:s31] =	ssyncpa.u1 $0x0;
	s7 =	sor.u32 $0x1, s5  }
.LBB1_4:
0xe: {  	_ =	sdelay $0x3  }
0xf: {  	[tilespmem:v0+s19+$0xFFFFFFD0 ss:$0x1] =	vst.idx.msk $0xffff, v6  }
0x10: {  	v56 =	vld.idx.msk [tilespmem:v1+s18+$0x0 ss:$0x1], $0xffff;
	[tilespmem:v0+s19+$0xFFFFFFE0 ss:$0x1] =	vst.idx.msk $0xffff, v4  }
0x11: {  	v57 =	vld.idx.msk [tilespmem:v1+s18+$0xFFFFFF90 ss:$0x1], $0xffff;
	[tilespmem:v0+s19+$0xFFFFFFF0 ss:$0x1] =	vst.idx.msk $0xffff, v2  }
0x12: {  	v58 =	vld.idx.msk [tilespmem:v1+s18+$0xFFFFFFA0 ss:$0x1], $0xffff;
	[tilespmem:v0+s19+$0x0 ss:$0x1] =	vst.idx.msk $0xffff, v3  }
0x13: {  	v59 =	vld.idx.msk [tilespmem:v1+s18+$0xFFFFFFB0 ss:$0x1], $0xffff;
	[tilespmem:v0+s19+$0x10 ss:$0x1] =	vst.idx.msk $0xffff, v5  }
0x14: {  	v60 =	vld.idx.msk [tilespmem:v1+s18+$0xFFFFFFC0 ss:$0x1], $0xffff;
	[tilespmem:v0+s19+$0x20 ss:$0x1] =	vst.idx.msk $0xffff, v7  }
0x15: {  	v61 =	vld.idx.msk [tilespmem:v1+s18+$0xFFFFFFD0 ss:$0x1], $0xffff;
	[tilespmem:v0+s18+$0x30 ss:$0x1] =	vst.idx.msk $0xffff, v56  }
0x16: {  	v62 =	vld.idx.msk [tilespmem:v1+s18+$0xFFFFFFE0 ss:$0x1], $0xffff;
	[tilespmem:v0+s18+$0xFFFFFFC0 ss:$0x1] =	vst.idx.msk $0xffff, v57  }
0x17: {  	v63 =	vld.idx.msk [tilespmem:v1+s18+$0xFFFFFFF0 ss:$0x1], $0xffff;
	s16 =	sshll.u32 s16, $0x7;
	[tilespmem:v0+s18+$0xFFFFFFD0 ss:$0x1] =	vst.idx.msk $0xffff, v58  }
0x18: {  	s30 =	sand.u32 $0x78, s14;
	s15 =	sshll.u32 s15, $0x13;
	s20 =	sand.u32 $0x380, s16;
	[tilespmem:v0+s18+$0xFFFFFFE0 ss:$0x1] =	vst.idx.msk $0xffff, v59  }
0x19: {  	s31 =	sand.u32 $0x7, s14;
	s16 =	sand.u32 $0x7FC00, s16;
	s19 =	sor.u32 s20, s30;
	[tilespmem:v0+s18+$0xFFFFFFF0 ss:$0x1] =	vst.idx.msk $0xffff, v60  }
0x1a: {  	s15 =	sadd.s32 s3, s15;
	s16 =	sadd.s32 s14, s16;
	s19 =	sshrl.u32 s19, $0x3;
	[tilespmem:v0+s18+$0x0 ss:$0x1] =	vst.idx.msk $0xffff, v61  }
0x1b: {  	s14 =	sshll.u32 s31, $0x12;
	s16 =	sand.u32 $0x7FF80, s16;
	s15 =	sadd.s32 s19, s15;
	[tilespmem:v0+s18+$0x10 ss:$0x1] =	vst.idx.msk $0xffff, v62  }
0x1c: {  	s14 =	sor.u32 $0x400, s14;
	[tilespmem:v0+s18+$0x20 ss:$0x1] =	vst.idx.msk $0xffff, v63;
	s15 =	sadd.s32 s16, s15  }
0x1d: {  	[hbm4b:s15+s14] =	stream.strided.scatter [tilespmem:s17], [sflag:$0x2], $0x4000, s8, s14, $0x38;
	[tilespmem:$0x10000] =	vst v63  }
.LBB1_5:
0x1e: {  	s17 =	sadd.s32 $0x80, s10  }
0x1f: {  	s14 =	simm.s32 $0x1;
	p1 =	sgt.s32 s17, $0x3FF  }
0x20: {  	s14 =	simm.s32 @!p1 $0x0  }
0x21: {  	s18 =	sadd.s32 s14, s11  }
0x22: {  	s20 =	smov.u32 s12;
	s14 =	sadd.s32 $0x1000, s12;
	p2 =	sgt.s32 s18, $0x9  }
0x23: {  	s20 =	smov.u32 @p2 s14  }
0x24: {  	p0 =	slt.u32 s13, $0x2;
	s17 =	simm.s32 @p1 $0x0;
	p1 =	sgt.s32 s20, $0xFFF  }
0x25: {  	s19 =	simm.s32 @!p0 $0x2;
	s20 =	smov.u32 @p1 s2;
	p1 =	sne.s32 s13, s7  }
.Ltmp1:
0x26: {  	_ =	swait.ge @!p0 [sflag:s19], $0x4000;
	(pc) =	sbr.rel @!p1 .LBB1_6-.Ltmp1, $4  }
0x27: {  	s15 =	smov.u32 s11;
	[sflag:s19] =	ssyncset.done @!p0 $0x0  }
0x28: {  	s16 =	smov.u32 s12;
	s9 =	sadd.s32 $0x4000, s9;
	[sflag:s19] =	ssyncadd.s32 @!p0 $0xFFFFC000  }
0x29: {  	s18 =	simm.s32 @p2 $0x0;
	s14 =	smov.u32 s10;
	s10 =	smov.u32 s17  }
0x2a: {  	s11 =	smov.u32 s18;
	s13 =	sadd.s32 $0x1, s13;
	s12 =	smov.u32 s20  }
.LBB1_1:
0x2b: {  	p0 =	sge.u32 s13, s5  }
0x2c: {  	s31 =	sadd.s32 $0xFFFFFFFF, s13;
	s17 =	sshll.u32 @!p0 s11, $0x7  }
0x2d: {  	s18 =	sxor.u32 @!p0 $0xFFFFFFFF, s13;
	s19 =	sand.u32 @!p0 $0x78, s10;
	s20 =	sand.u32 @!p0 $0x380, s17  }
0x2e: {  	s18 =	sshll.u32 @!p0 s18, $0xE;
	s19 =	sor.u32 @!p0 s19, s20;
	s20 =	sshll.u32 @!p0 s12, $0xB  }
0x2f: {  	s17 =	sand.u32 @!p0 $0x400, s17;
	s19 =	sshrl.u32 @!p0 s19, $0x3;
	s20 =	sadd.s32 @!p0 s6, s20  }
0x30: {  	s17 =	sadd.s32 @!p0 s10, s17;
	s19 =	sadd.s32 @!p0 s19, s20;
	s20 =	sand.u32 @!p0 $0x7, s10  }
0x31: {  	s18 =	sand.u32 @!p0 $0x4000, s18;
	s17 =	sand.u32 @!p0 $0x780, s17;
	s20 =	sshll.u32 @!p0 s20, $0x12  }
0x32: {  	s17 =	sadd.s32 @!p0 s17, s19;
	s19 =	sor.u32 @!p0 $0x80, s20;
	s20 =	simm.s32 @!p0 $0x4000  }
0x33: {  	[tilespmem:s18], [sflag:$0x1] =	stream.strided.gather @!p0 [hbm4b:s17+s19], $0x4000, s20, s19, $0x38;
	[tilespmem:$0x10000] =	vst v63  }
0x34: {  	p0 =	sge.u32 s31, s5  }
.Ltmp2:
0x35: {  	_ = 	snop;
	(pc) =	sbr.rel @p0 .LBB1_5-.Ltmp2, $1  }
0x36: {  	_ =	sdelay $0x3  }
0x37: {  	s17 =	sand.u32 $0x4000, s9  }
0x38: {  	s18 =	sor.u32 $0x70, s17  }
0x39: {  	v1 =	vmov s18;
	_ =	sdelay $0x1  }
0x3a: {  	_ =	swait.ge [sflag:s4], $0x4000  }
0x3b: {  	[sflag:s4] =	ssyncset.done $0x0  }
0x3c: {  	s19 =	simm.s32 $0x0;
	[sflag:s4] =	ssyncadd.s32 $0xFFFFC000  }
0x3d: {  	s17 =	sor.u32 $0x8040, s17;
	v7 =	vld.idx.msk [tilespmem:v1+s19+$0x0 ss:$0x1], $0xffff  }
0x3e: {  	v0 =	vmov s17;
	v8 =	vld.idx.msk [tilespmem:v1+s19+$0xFFFFFF90 ss:$0x1], $0xffff  }
0x3f: {  	v6 =	vld.idx.msk [tilespmem:v1+s19+$0xFFFFFFA0 ss:$0x1], $0xffff  }
0x40: {  	v4 =	vld.idx.msk [tilespmem:v1+s19+$0xFFFFFFB0 ss:$0x1], $0xffff  }
0x41: {  	v2 =	vld.idx.msk [tilespmem:v1+s19+$0xFFFFFFC0 ss:$0x1], $0xffff  }
0x42: {  	s31 =	sshll.u32 s13, $0xE;
	v3 =	vld.idx.msk [tilespmem:v1+s19+$0xFFFFFFD0 ss:$0x1], $0xffff  }
0x43: {  	s17 =	sand.u32 $0x4000, s31;
	v5 =	vld.idx.msk [tilespmem:v1+s19+$0xFFFFFFE0 ss:$0x1], $0xffff;
	[tilespmem:v0+s19+$0x30 ss:$0x1] =	vst.idx.msk $0xffff, v7  }
0x44: {  	s20 =	simm.s32 $0x400;
	s18 =	simm.s32 $0x80;
	s17 =	sor.u32 $0x8000, s17;
	[tilespmem:v0+s19+$0xFFFFFFC0 ss:$0x1] =	vst.idx.msk $0xffff, v8;
	v7 =	vld.idx.msk [tilespmem:v1+s19+$0xFFFFFFF0 ss:$0x1], $0xffff  }
.LBB1_3:
0x45: {  	p0 =	sne.s32 s20, $0xFE00;
	v8 =	vld.idx.msk [tilespmem:v1+s18+$0x0 ss:$0x1], $0xffff;
	[tilespmem:v0+s19+$0xFFFFFFD0 ss:$0x1] =	vst.idx.msk $0xffff, v6  }
0x46: {  	v9 =	vld.idx.msk [tilespmem:v1+s18+$0xFFFFFF90 ss:$0x1], $0xffff;
	[tilespmem:v0+s19+$0xFFFFFFE0 ss:$0x1] =	vst.idx.msk $0xffff, v4  }
0x47: {  	v6 =	vld.idx.msk [tilespmem:v1+s18+$0xFFFFFFA0 ss:$0x1], $0xffff;
	[tilespmem:v0+s19+$0xFFFFFFF0 ss:$0x1] =	vst.idx.msk $0xffff, v2  }
.Ltmp3:
0x48: {  	v4 =	vld.idx.msk [tilespmem:v1+s18+$0xFFFFFFB0 ss:$0x1], $0xffff;
	[tilespmem:v0+s19+$0x0 ss:$0x1] =	vst.idx.msk $0xffff, v3;
	(pc) =	sbr.rel @p0 .LBB1_3-.Ltmp3, $4  }
0x49: {  	v2 =	vld.idx.msk [tilespmem:v1+s18+$0xFFFFFFC0 ss:$0x1], $0xffff;
	[tilespmem:v0+s19+$0x10 ss:$0x1] =	vst.idx.msk $0xffff, v5  }
0x4a: {  	v3 =	vld.idx.msk [tilespmem:v1+s18+$0xFFFFFFD0 ss:$0x1], $0xffff;
	[tilespmem:v0+s19+$0x20 ss:$0x1] =	vst.idx.msk $0xffff, v7;
	s19 =	smov.u32 s18  }
0x4b: {  	v5 =	vld.idx.msk [tilespmem:v1+s19+$0xFFFFFFE0 ss:$0x1], $0xffff;
	[tilespmem:v0+s19+$0x30 ss:$0x1] =	vst.idx.msk $0xffff, v8  }
0x4c: {  	s18 =	sshra.s32 s20, $0x2;
	s20 =	sadd.s32 $0x200, s20;
	[tilespmem:v0+s19+$0xFFFFFFC0 ss:$0x1] =	vst.idx.msk $0xffff, v9;
	v7 =	vld.idx.msk [tilespmem:v1+s19+$0xFFFFFFF0 ss:$0x1], $0xffff  }
.Ltmp4:
0x4d: {  	_ = 	snop;
	(pc) =	sbr.rel .LBB1_4-.Ltmp4, $1  }
0x4e: {  	_ =	sdelay $0x3  }
.LBB1_6:
0x4f: {  	_ =	sfence.sel $0x180000  }
0x50: {  	s2 =	simm.s32 $0x1;
	[bflag:$0x0] =	sbarrier.arrive $0xFFFF  }
0x51: {  	s31 =	simm.s32 $0x2;
	[sflag:s2] =	ssyncpa.u1 $0x1  }
0x52: {  	[sflag:s31] =	ssyncpa.u1 $0x1  }
0x53: {  	p0 =	sne.s32 s0, $0x0;
	_ =	strace $0x9000004A  }
0x54: {  	s0 =	sadd.s32 @!p0 $0x100000, s1;
	[bflag:$0x2] =	sbarrier.arrive $0xFFFF  }
0x55: {  	[sflag:s0] =	ssyncadd.tile.s32 @!p0 $0x1;
	_ =	shalt  }
.Lfunc_end1:
_tile_overlayer_lowered:
.L_overlay_start_2:
0x56: {  	(tag) =	ssettag $0x2  }
0x57: {  	s0 =	rddreg [dreg:$0x0];
	s2 =	stileid.u32  }
0x58: {  	s1 =	rddreg [dreg:$0x1];
	p0 =	sne.s32 s2, $0x0  }
0x59: {  	s3 =	rddreg [dreg:$0x2];
	[bflag:$0x3] =	sbarrier.arrive $0xFFFF;
	s2 =	simm.s32 @!p0 $0x1C01  }
0x5a: {  	[timem:s3], [sflag:s2] =	dma.local @!p0 [hbm:s0], s1  }
0x5b: {  	s0 =	simm.s32 @!p0 $0x1  }
0x5c: {  	_ =	swait.ge @!p0 [sflag:s0], s1  }
0x5d: {  	s1 =	ssub.s32 @!p0 $0x0, s1;
	[sflag:s0] =	ssyncset.done @!p0 $0x0  }
0x5e: {  	[sflag:s0] =	ssyncadd.s32 @!p0 s1  }
0x5f: {  	[bflag:$0x3] =	sbarrier.arrive $0xFFFF  }
0x60: {  	_ =	shalt  }

</sc_bundles>
